<compile_context>
chip_gen: v7x
topology: tpu7x:2x2x1
jax: 0.10.2.dev20260603
libtpu: 0.0.44.dev20260713+nightly
codegen_flags: <defaults>
</compile_context>

<pallas_src>
import functools

import jax
import jax.numpy as jnp
from jax import lax
from jax.experimental import pallas as pl
from jax.experimental.pallas import tpu as pltpu
from jax.experimental.pallas import tpu_sc as plsc


def _make_sc_gather(V, D, B):
    info = plsc.get_sparse_core_info()
    NC, NS = info.num_cores, info.num_subcores
    NW = NC * NS
    assert B % (8 * NW) == 0
    b_per_w = B // NW
    mesh = plsc.VectorSubcoreMesh(core_axis_name="c", subcore_axis_name="s")

    nchunk = 2
    ck = b_per_w // nchunk

    @functools.partial(
        pl.kernel,
        mesh=mesh,
        out_type=jax.ShapeDtypeStruct((B, D), jnp.float32),
        compiler_params=pltpu.CompilerParams(use_tc_tiling_on_sc=True),
        scratch_types=[
            pltpu.VMEM((b_per_w,), jnp.int32),
            pltpu.VMEM((b_per_w, D), jnp.float32),
        ]
        + [pltpu.SemaphoreType.DMA] * (2 * nchunk),
    )
    def gather_kernel(table_hbm, idx_hbm, out_hbm, idx_v, rows_v, *sems):
        wid = lax.axis_index("s") * NC + lax.axis_index("c")
        base = wid * b_per_w
        pltpu.sync_copy(idx_hbm.at[pl.ds(base, b_per_w)], idx_v)
        gs = [pltpu.async_copy(table_hbm.at[idx_v.at[pl.ds(c * ck, ck)]],
                               rows_v.at[pl.ds(c * ck, ck)], sems[c])
              for c in range(nchunk)]
        ws = []
        for c in range(nchunk):
            gs[c].wait()
            ws.append(pltpu.async_copy(
                rows_v.at[pl.ds(c * ck, ck)],
                out_hbm.at[pl.ds(base + c * ck, ck)], sems[nchunk + c]))
        for w in ws:
            w.wait()

    return gather_kernel


def _genre_body(genT_ref, ge_ref, out_ref):
    genT = genT_ref[...]
    ng, blk = genT.shape
    g = ge_ref.shape[0]
    siota = lax.broadcasted_iota(jnp.int32, (g, blk), 0)
    ohT = jnp.zeros((g, blk), jnp.float32)
    for j in range(ng):
        ohT = ohT + (genT[j:j + 1, :] == siota).astype(jnp.float32)
    ge = ge_ref[...]
    row0 = lax.broadcasted_iota(jnp.int32, ge.shape, 0)
    ge = jnp.where(row0 == 0, jnp.bfloat16(0.0), ge)
    gv = lax.dot_general(ohT.astype(jnp.bfloat16), ge, (((0,), (0,)), ((), ())),
                         preferred_element_type=jnp.float32)
    out_ref[...] = (gv * (1.0 / ng)).astype(jnp.bfloat16)


def _mlp_body(mv_ref, gv_ref, w1_ref, b1_ref, w2_ref, b2_ref, w3_ref, b3_ref,
              out_ref):
    d = mv_ref.shape[1]
    mv = mv_ref[...].astype(jnp.bfloat16)
    gv = gv_ref[...]
    w1 = w1_ref[...]
    h = lax.dot_general(mv, w1[:, :d], (((1,), (1,)), ((), ())),
                        preferred_element_type=jnp.float32)
    h = h + lax.dot_general(gv, w1[:, d:], (((1,), (1,)), ((), ())),
                            preferred_element_type=jnp.float32)
    h = jnp.maximum(h + b1_ref[...], 0.0).astype(jnp.bfloat16)
    h = lax.dot_general(h, w2_ref[...], (((1,), (1,)), ((), ())),
                        preferred_element_type=jnp.float32)
    h = jnp.maximum(h + b2_ref[...], 0.0).astype(jnp.bfloat16)
    h = lax.dot_general(h, w3_ref[...], (((1,), (1,)), ((), ())),
                        preferred_element_type=jnp.float32)
    h = jnp.maximum(h + b3_ref[...], 0.0)
    ssum = jnp.sum(h * h, axis=1, keepdims=True)
    out_ref[...] = h * (1.0 / jnp.maximum(jnp.sqrt(ssum), 1e-12))


def _genre_call(genT, ge_bf, blk=4096, interpret=False):
    NG, B = genT.shape
    G, D = ge_bf.shape
    return pl.pallas_call(
        _genre_body,
        grid=(B // blk,),
        in_specs=[
            pl.BlockSpec((NG, blk), lambda i: (0, i)),
            pl.BlockSpec((G, D), lambda i: (0, 0)),
        ],
        out_specs=pl.BlockSpec((blk, D), lambda i: (i, 0)),
        out_shape=jax.ShapeDtypeStruct((B, D), jnp.bfloat16),
        interpret=interpret,
    )(genT, ge_bf)


def _mlp_call(movie_vec, gv, W1, b1, W2, b2, W3, b3, blk=2048, interpret=False):
    B, D = movie_vec.shape
    H1, H2, H3 = W2.shape[1], W3.shape[1], W3.shape[0]
    fixed = lambda i: (0, 0)
    return pl.pallas_call(
        _mlp_body,
        grid=(B // blk,),
        in_specs=[
            pl.BlockSpec((blk, D), lambda i: (i, 0)),
            pl.BlockSpec((blk, D), lambda i: (i, 0)),
            pl.BlockSpec((H1, 2 * D), fixed),
            pl.BlockSpec((1, H1), fixed),
            pl.BlockSpec((H2, H1), fixed),
            pl.BlockSpec((1, H2), fixed),
            pl.BlockSpec((H3, H2), fixed),
            pl.BlockSpec((1, H3), fixed),
        ],
        out_specs=pl.BlockSpec((blk, H3), lambda i: (i, 0)),
        out_shape=jax.ShapeDtypeStruct((B, H3), jnp.float32),
        interpret=interpret,
    )(movie_vec, gv, W1, b1, W2, b2, W3, b3)


def kernel(movie_ids, genres, movie_emb, genre_emb, W1, b1, W2, b2, W3, b3):
    B = movie_ids.shape[0]
    V, D = movie_emb.shape
    ids = movie_ids.astype(jnp.int32)
    movie_vec = _make_sc_gather(V, D, B)(movie_emb, ids)
    gv = _genre_call(genres.astype(jnp.int32).T, genre_emb.astype(jnp.bfloat16))
    return _mlp_call(movie_vec, gv, W1.astype(jnp.bfloat16),
                     b1.reshape(1, -1), W2.astype(jnp.bfloat16),
                     b2.reshape(1, -1), W3.astype(jnp.bfloat16),
                     b3.reshape(1, -1))

# --- scband reference (transcript-rebuilt; emitter-appended) ---
"""Pipeline reference for scband-structure-item-tower-44830868636102 (READ-ONLY COPY).

The authoritative reference and input builder live on the scoring server;
editing this copy changes nothing except your own understanding.
"""

import jax, jax.numpy as jnp
import numpy as np

B = 4096
V = 100000
G = 32
D = 128
NG = 8
HID = [512, 256, 128]

def _linear_init(k, fin, fout):
    k1, k2 = jax.random.split(k)
    bound = 1.0 / np.sqrt(fin)
    W = jax.random.uniform(k1, (fout, fin), jnp.float32, -bound, bound)
    b = jax.random.uniform(k2, (fout,), jnp.float32, -bound, bound)
    return W, b

def setup_inputs(seed: int = 0):
    key = jax.random.key(seed)
    ks = jax.random.split(key, 8)
    movie_ids = jax.random.randint(ks[0], (B,), 0, V)
    genres = jax.random.randint(ks[1], (B, NG), 0, G)
    movie_emb = jax.random.normal(ks[2], (V, D), jnp.float32) * 0.02
    genre_emb = jax.random.normal(ks[3], (G, D), jnp.float32) * 0.02
    genre_emb = genre_emb.at[0].set(0.0)  # padding_idx=0
    W1, b1 = _linear_init(ks[4], 2 * D, HID[0])
    W2, b2 = _linear_init(ks[5], HID[0], HID[1])
    W3, b3 = _linear_init(ks[6], HID[1], HID[2])
    return {"movie_ids": movie_ids, "genres": genres, "movie_emb": movie_emb,
            "genre_emb": genre_emb, "W1": W1, "b1": b1, "W2": W2, "b2": b2,
            "W3": W3, "b3": b3}

def reference(movie_ids, genres, movie_emb, genre_emb, W1, b1, W2, b2, W3, b3):
    # embedding lookups (gather)
    movie_vec = jnp.take(movie_emb, movie_ids, axis=0)            # [B, D]
    ge = genre_emb.at[0].set(0.0)                                  # padding_idx=0
    genre_vec = jnp.take(ge, genres, axis=0).mean(axis=1)          # [B, D]
    x = jnp.concatenate([movie_vec, genre_vec], axis=1)           # [B, 2D]
    # MLP (dropout is identity in eval mode)
    h = jax.nn.relu(x @ W1.T + b1)
    h = jax.nn.relu(h @ W2.T + b2)
    h = jax.nn.relu(h @ W3.T + b3)
    # F.normalize(p=2, dim=1, eps=1e-12)
    norm = jnp.linalg.norm(h, axis=1, keepdims=True)
    return h / jnp.maximum(norm, 1e-12)

if __name__ == "__main__":
    import jax
    _d = setup_inputs()
    print(jax.jit(kernel)(*tuple(_d.values())))

</pallas_src>

<mosaic_0001>
#map = affine_map<(d0, d1) -> (0, 0)>
#map1 = affine_map<(d0, d1) -> (0)>
module attributes {stable_mosaic.version = 14 : i64} {
  func.func @gather_kernel(%arg0: i32, %arg1: i32, %arg2: memref<100000x128xf32, #tpu.memory_space<hbm>>, %arg3: memref<4096xi32, #tpu.memory_space<hbm>>, %arg4: memref<4096x128xf32, #tpu.memory_space<hbm>>, %arg5: memref<128xi32, #tpu.memory_space<vmem>>, %arg6: memref<128x128xf32, #tpu.memory_space<vmem>>, %arg7: memref<!tpu.dma_semaphore, #tpu.memory_space<semaphore_mem>>, %arg8: memref<!tpu.dma_semaphore, #tpu.memory_space<semaphore_mem>>, %arg9: memref<!tpu.dma_semaphore, #tpu.memory_space<semaphore_mem>>, %arg10: memref<!tpu.dma_semaphore, #tpu.memory_space<semaphore_mem>>) attributes {dimension_semantics = [#tpu.dimension_semantics<core_parallel>, #tpu.dimension_semantics<subcore_parallel>], iteration_bounds = array<i64: 2, 16>, scalar_prefetch = 0 : i64, scratch_operands = 6 : i64, tpu.core_type = #tpu.core_type<sc_vector_subcore>, window_params = [{transform_indices = #map}, {transform_indices = #map1}, {transform_indices = #map}]} {
    %mul3A = arith.constant 2 : i32
    %mul3A_0 = arith.muli %arg1, %mul3A : i32
    %add3A = arith.addi %mul3A_0, %arg0 : i32
    %mul3A_1 = arith.constant 128 : i32
    %mul3A_2 = arith.muli %add3A, %mul3A_1 : i32
    "tpu.region"() ({
      %run_scoped3A = tpu.sem_alloc : memref<!tpu.dma_semaphore, #tpu.memory_space<semaphore_mem>>
      %dma_start3A_77 = tpu.memref_slice %arg3[%mul3A_2] : memref<4096xi32, #tpu.memory_space<hbm>> -> memref<128xi32, #tpu.memory_space<hbm>>
      %dma_start3A_78 = tpu.memref_slice %arg3[%mul3A_2] : memref<4096xi32, #tpu.memory_space<hbm>> -> memref<128xi32, #tpu.memory_space<hbm>>
      tpu.enqueue_dma source(%dma_start3A_78 : memref<128xi32, #tpu.memory_space<hbm>>) target(%arg5 : memref<128xi32, #tpu.memory_space<vmem>>) target_semaphore(%run_scoped3A : memref<!tpu.dma_semaphore, #tpu.memory_space<semaphore_mem>>)
      %dma_wait3A_79 = tpu.memref_slice %arg3[%mul3A_2] : memref<4096xi32, #tpu.memory_space<hbm>> -> memref<128xi32, #tpu.memory_space<hbm>>
      %dma_wait3A_80 = tpu.memref_slice %arg3[%mul3A_2] : memref<4096xi32, #tpu.memory_space<hbm>> -> memref<128xi32, #tpu.memory_space<hbm>>
      tpu.wait_dma2 semaphore(%run_scoped3A : memref<!tpu.dma_semaphore, #tpu.memory_space<semaphore_mem>>) src(%dma_wait3A_80 : memref<128xi32, #tpu.memory_space<hbm>>) dst(%arg5 : memref<128xi32, #tpu.memory_space<vmem>>)
      tpu.yield
    }) : () -> ()
    %dma_start3A = arith.constant 0 : i32
    %dma_start3A_3 = arith.constant 0 : i32
    %dma_start3A_4 = tpu.memref_slice %arg6[%dma_start3A, %dma_start3A_3] : memref<128x128xf32, #tpu.memory_space<vmem>> -> memref<64x128xf32, #tpu.memory_space<vmem>>
    %dma_start3A_5 = arith.constant 0 : i32
    %dma_start3A_6 = tpu.memref_slice %arg5[%dma_start3A_5] : memref<128xi32, #tpu.memory_space<vmem>> -> memref<64xi32, #tpu.memory_space<vmem>>
    %dma_start3A_7 = arith.constant 0 : i32
    %dma_start3A_8 = arith.constant 0 : i32
    %dma_start3A_9 = tpu.memref_slice %arg2[%dma_start3A_7, %dma_start3A_8] : memref<100000x128xf32, #tpu.memory_space<hbm>> -> memref<100000x128xf32, #tpu.memory_space<hbm>>
    tpu.enqueue_indirect_dma source(%dma_start3A_9 : memref<100000x128xf32, #tpu.memory_space<hbm>>) target(%dma_start3A_4 : memref<64x128xf32, #tpu.memory_space<vmem>>) offsets(%dma_start3A_6 : memref<64xi32, #tpu.memory_space<vmem>>) semaphore(%arg7 : memref<!tpu.dma_semaphore, #tpu.memory_space<semaphore_mem>>)
    %dma_start3A_10 = arith.constant 64 : i32
    %dma_start3A_11 = arith.constant 0 : i32
    %dma_start3A_12 = tpu.memref_slice %arg6[%dma_start3A_10, %dma_start3A_11] : memref<128x128xf32, #tpu.memory_space<vmem>> -> memref<64x128xf32, #tpu.memory_space<vmem>>
    %dma_start3A_13 = arith.constant 64 : i32
    %dma_start3A_14 = tpu.memref_slice %arg5[%dma_start3A_13] : memref<128xi32, #tpu.memory_space<vmem>> -> memref<64xi32, #tpu.memory_space<vmem>>
    %dma_start3A_15 = arith.constant 0 : i32
    %dma_start3A_16 = arith.constant 0 : i32
    %dma_start3A_17 = tpu.memref_slice %arg2[%dma_start3A_15, %dma_start3A_16] : memref<100000x128xf32, #tpu.memory_space<hbm>> -> memref<100000x128xf32, #tpu.memory_space<hbm>>
    tpu.enqueue_indirect_dma source(%dma_start3A_17 : memref<100000x128xf32, #tpu.memory_space<hbm>>) target(%dma_start3A_12 : memref<64x128xf32, #tpu.memory_space<vmem>>) offsets(%dma_start3A_14 : memref<64xi32, #tpu.memory_space<vmem>>) semaphore(%arg8 : memref<!tpu.dma_semaphore, #tpu.memory_space<semaphore_mem>>)
    %dma_wait3A = arith.constant 0 : i32
    %dma_wait3A_18 = arith.constant 0 : i32
    %dma_wait3A_19 = tpu.memref_slice %arg6[%dma_wait3A, %dma_wait3A_18] : memref<128x128xf32, #tpu.memory_space<vmem>> -> memref<64x128xf32, #tpu.memory_space<vmem>>
    %dma_wait3A_20 = arith.constant 0 : i32
    %dma_wait3A_21 = tpu.memref_slice %arg5[%dma_wait3A_20] : memref<128xi32, #tpu.memory_space<vmem>> -> memref<64xi32, #tpu.memory_space<vmem>>
    %dma_wait3A_22 = arith.constant 0 : i32
    %dma_wait3A_23 = arith.constant 0 : i32
    %dma_wait3A_24 = tpu.memref_slice %arg2[%dma_wait3A_22, %dma_wait3A_23] : memref<100000x128xf32, #tpu.memory_space<hbm>> -> memref<100000x128xf32, #tpu.memory_space<hbm>>
    tpu.wait_indirect_dma semaphore(%arg7 : memref<!tpu.dma_semaphore, #tpu.memory_space<semaphore_mem>>) src(%dma_wait3A_24 : memref<100000x128xf32, #tpu.memory_space<hbm>>) dst(%dma_wait3A_19 : memref<64x128xf32, #tpu.memory_space<vmem>>)
    %add3A_25 = arith.constant 0 : i32
    %add3A_26 = arith.addi %mul3A_2, %add3A_25 : i32
    %dma_start3A_27 = arith.constant 0 : i32
    %dma_start3A_28 = arith.constant 0 : i32
    %dma_start3A_29 = tpu.memref_slice %arg6[%dma_start3A_27, %dma_start3A_28] : memref<128x128xf32, #tpu.memory_space<vmem>> -> memref<64x128xf32, #tpu.memory_space<vmem>>
    %dma_start3A_30 = arith.constant 0 : i32
    %dma_start3A_31 = tpu.memref_slice %arg4[%add3A_26, %dma_start3A_30] : memref<4096x128xf32, #tpu.memory_space<hbm>> -> memref<64x128xf32, #tpu.memory_space<hbm>>
    %dma_start3A_32 = arith.constant 0 : i32
    %dma_start3A_33 = tpu.memref_slice %arg4[%add3A_26, %dma_start3A_32] : memref<4096x128xf32, #tpu.memory_space<hbm>> -> memref<64x128xf32, #tpu.memory_space<hbm>>
    %dma_start3A_34 = arith.constant 0 : i32
    %dma_start3A_35 = arith.constant 0 : i32
    %dma_start3A_36 = tpu.memref_slice %arg6[%dma_start3A_34, %dma_start3A_35] : memref<128x128xf32, #tpu.memory_space<vmem>> -> memref<64x128xf32, #tpu.memory_space<vmem>>
    tpu.enqueue_dma source(%dma_start3A_36 : memref<64x128xf32, #tpu.memory_space<vmem>>) target(%dma_start3A_33 : memref<64x128xf32, #tpu.memory_space<hbm>>) target_semaphore(%arg9 : memref<!tpu.dma_semaphore, #tpu.memory_space<semaphore_mem>>)
    %dma_wait3A_37 = arith.constant 64 : i32
    %dma_wait3A_38 = arith.constant 0 : i32
    %dma_wait3A_39 = tpu.memref_slice %arg6[%dma_wait3A_37, %dma_wait3A_38] : memref<128x128xf32, #tpu.memory_space<vmem>> -> memref<64x128xf32, #tpu.memory_space<vmem>>
    %dma_wait3A_40 = arith.constant 64 : i32
    %dma_wait3A_41 = tpu.memref_slice %arg5[%dma_wait3A_40] : memref<128xi32, #tpu.memory_space<vmem>> -> memref<64xi32, #tpu.memory_space<vmem>>
    %dma_wait3A_42 = arith.constant 0 : i32
    %dma_wait3A_43 = arith.constant 0 : i32
    %dma_wait3A_44 = tpu.memref_slice %arg2[%dma_wait3A_42, %dma_wait3A_43] : memref<100000x128xf32, #tpu.memory_space<hbm>> -> memref<100000x128xf32, #tpu.memory_space<hbm>>
    tpu.wait_indirect_dma semaphore(%arg8 : memref<!tpu.dma_semaphore, #tpu.memory_space<semaphore_mem>>) src(%dma_wait3A_44 : memref<100000x128xf32, #tpu.memory_space<hbm>>) dst(%dma_wait3A_39 : memref<64x128xf32, #tpu.memory_space<vmem>>)
    %add3A_45 = arith.constant 64 : i32
    %add3A_46 = arith.addi %mul3A_2, %add3A_45 : i32
    %dma_start3A_47 = arith.constant 64 : i32
    %dma_start3A_48 = arith.constant 0 : i32
    %dma_start3A_49 = tpu.memref_slice %arg6[%dma_start3A_47, %dma_start3A_48] : memref<128x128xf32, #tpu.memory_space<vmem>> -> memref<64x128xf32, #tpu.memory_space<vmem>>
    %dma_start3A_50 = arith.constant 0 : i32
    %dma_start3A_51 = tpu.memref_slice %arg4[%add3A_46, %dma_start3A_50] : memref<4096x128xf32, #tpu.memory_space<hbm>> -> memref<64x128xf32, #tpu.memory_space<hbm>>
    %dma_start3A_52 = arith.constant 0 : i32
    %dma_start3A_53 = tpu.memref_slice %arg4[%add3A_46, %dma_start3A_52] : memref<4096x128xf32, #tpu.memory_space<hbm>> -> memref<64x128xf32, #tpu.memory_space<hbm>>
    %dma_start3A_54 = arith.constant 64 : i32
    %dma_start3A_55 = arith.constant 0 : i32
    %dma_start3A_56 = tpu.memref_slice %arg6[%dma_start3A_54, %dma_start3A_55] : memref<128x128xf32, #tpu.memory_space<vmem>> -> memref<64x128xf32, #tpu.memory_space<vmem>>
    tpu.enqueue_dma source(%dma_start3A_56 : memref<64x128xf32, #tpu.memory_space<vmem>>) target(%dma_start3A_53 : memref<64x128xf32, #tpu.memory_space<hbm>>) target_semaphore(%arg10 : memref<!tpu.dma_semaphore, #tpu.memory_space<semaphore_mem>>)
    %dma_wait3A_57 = arith.constant 0 : i32
    %dma_wait3A_58 = arith.constant 0 : i32
    %dma_wait3A_59 = tpu.memref_slice %arg6[%dma_wait3A_57, %dma_wait3A_58] : memref<128x128xf32, #tpu.memory_space<vmem>> -> memref<64x128xf32, #tpu.memory_space<vmem>>
    %dma_wait3A_60 = arith.constant 0 : i32
    %dma_wait3A_61 = tpu.memref_slice %arg4[%add3A_26, %dma_wait3A_60] : memref<4096x128xf32, #tpu.memory_space<hbm>> -> memref<64x128xf32, #tpu.memory_space<hbm>>
    %dma_wait3A_62 = arith.constant 0 : i32
    %dma_wait3A_63 = tpu.memref_slice %arg4[%add3A_26, %dma_wait3A_62] : memref<4096x128xf32, #tpu.memory_space<hbm>> -> memref<64x128xf32, #tpu.memory_space<hbm>>
    %dma_wait3A_64 = arith.constant 0 : i32
    %dma_wait3A_65 = arith.constant 0 : i32
    %dma_wait3A_66 = tpu.memref_slice %arg6[%dma_wait3A_64, %dma_wait3A_65] : memref<128x128xf32, #tpu.memory_space<vmem>> -> memref<64x128xf32, #tpu.memory_space<vmem>>
    tpu.wait_dma2 semaphore(%arg9 : memref<!tpu.dma_semaphore, #tpu.memory_space<semaphore_mem>>) src(%dma_wait3A_66 : memref<64x128xf32, #tpu.memory_space<vmem>>) dst(%dma_wait3A_63 : memref<64x128xf32, #tpu.memory_space<hbm>>)
    %dma_wait3A_67 = arith.constant 64 : i32
    %dma_wait3A_68 = arith.constant 0 : i32
    %dma_wait3A_69 = tpu.memref_slice %arg6[%dma_wait3A_67, %dma_wait3A_68] : memref<128x128xf32, #tpu.memory_space<vmem>> -> memref<64x128xf32, #tpu.memory_space<vmem>>
    %dma_wait3A_70 = arith.constant 0 : i32
    %dma_wait3A_71 = tpu.memref_slice %arg4[%add3A_46, %dma_wait3A_70] : memref<4096x128xf32, #tpu.memory_space<hbm>> -> memref<64x128xf32, #tpu.memory_space<hbm>>
    %dma_wait3A_72 = arith.constant 0 : i32
    %dma_wait3A_73 = tpu.memref_slice %arg4[%add3A_46, %dma_wait3A_72] : memref<4096x128xf32, #tpu.memory_space<hbm>> -> memref<64x128xf32, #tpu.memory_space<hbm>>
    %dma_wait3A_74 = arith.constant 64 : i32
    %dma_wait3A_75 = arith.constant 0 : i32
    %dma_wait3A_76 = tpu.memref_slice %arg6[%dma_wait3A_74, %dma_wait3A_75] : memref<128x128xf32, #tpu.memory_space<vmem>> -> memref<64x128xf32, #tpu.memory_space<vmem>>
    tpu.wait_dma2 semaphore(%arg10 : memref<!tpu.dma_semaphore, #tpu.memory_space<semaphore_mem>>) src(%dma_wait3A_76 : memref<64x128xf32, #tpu.memory_space<vmem>>) dst(%dma_wait3A_73 : memref<64x128xf32, #tpu.memory_space<hbm>>)
    return
  }
}

module attributes {stable_mosaic.version = 14 : i64} {
  func.func @_mlp_body(%arg0: i32, %arg1: memref<2048x128xf32, #tpu.memory_space<vmem>>, %arg2: memref<2048x128xbf16, #tpu.memory_space<vmem>>, %arg3: memref<512x256xbf16, #tpu.memory_space<vmem>>, %arg4: memref<1x512xf32, #tpu.memory_space<vmem>>, %arg5: memref<256x512xbf16, #tpu.memory_space<vmem>>, %arg6: memref<1x256xf32, #tpu.memory_space<vmem>>, %arg7: memref<128x256xbf16, #tpu.memory_space<vmem>>, %arg8: memref<1x128xf32, #tpu.memory_space<vmem>>, %arg9: memref<2048x128xf32, #tpu.memory_space<vmem>>) attributes {dimension_semantics = [#tpu.dimension_semantics<arbitrary>], iteration_bounds = array<i64: 2>, scalar_prefetch = 0 : i64, scratch_operands = 0 : i64, tpu.core_type = #tpu.core_type<tc>, window_params = [{transform_indices = @transform_0, window_bounds = array<i64: 2048, 128>}, {transform_indices = @transform_1, window_bounds = array<i64: 2048, 128>}, {pipeline_mode = #tpu.pipeline_mode<synchronous>, transform_indices = @transform_2, window_bounds = array<i64: 512, 256>}, {pipeline_mode = #tpu.pipeline_mode<synchronous>, transform_indices = @transform_3, window_bounds = array<i64: 1, 512>}, {pipeline_mode = #tpu.pipeline_mode<synchronous>, transform_indices = @transform_4, window_bounds = array<i64: 256, 512>}, {pipeline_mode = #tpu.pipeline_mode<synchronous>, transform_indices = @transform_5, window_bounds = array<i64: 1, 256>}, {pipeline_mode = #tpu.pipeline_mode<synchronous>, transform_indices = @transform_6, window_bounds = array<i64: 128, 256>}, {pipeline_mode = #tpu.pipeline_mode<synchronous>, transform_indices = @transform_7, window_bounds = array<i64: 1, 128>}, {transform_indices = @transform_8, window_bounds = array<i64: 2048, 128>}]} {
    %get3A = arith.constant 0 : index
    %get3A_0 = arith.constant 0 : index
    %get3A_1 = vector.load %arg1[%get3A, %get3A_0] : memref<2048x128xf32, #tpu.memory_space<vmem>>, vector<2048x128xf32>
    %convert_element_type3A = arith.truncf %get3A_1 : vector<2048x128xf32> to vector<2048x128xbf16>
    %get3A_2 = arith.constant 0 : index
    %get3A_3 = arith.constant 0 : index
    %get3A_4 = vector.load %arg2[%get3A_2, %get3A_3] : memref<2048x128xbf16, #tpu.memory_space<vmem>>, vector<2048x128xbf16>
    %get3A_5 = arith.constant 0 : index
    %get3A_6 = arith.constant 0 : index
    %get3A_7 = vector.load %arg3[%get3A_5, %get3A_6] : memref<512x256xbf16, #tpu.memory_space<vmem>>, vector<512x256xbf16>
    %slice3A = vector.extract_strided_slice %get3A_7 {offsets = [0, 0], sizes = [512, 128], strides = [1, 1]} : vector<512x256xbf16> to vector<512x128xbf16>
    %dot_general3A = arith.constant dense<0.000000e+00> : vector<2048x512xf32>
    %dot_general3A_8 = tpu.matmul %convert_element_type3A, %slice3A, %dot_general3A {dimension_numbers = #tpu.dot_dimension_numbers<[1], [1], [0], [0], [0, 0, 1, 0], [], []>, transpose_lhs_hint = false} : vector<2048x128xbf16>, vector<512x128xbf16>, vector<2048x512xf32> -> vector<2048x512xf32>
    %slice3A_9 = vector.extract_strided_slice %get3A_7 {offsets = [0, 128], sizes = [512, 128], strides = [1, 1]} : vector<512x256xbf16> to vector<512x128xbf16>
    %dot_general3A_10 = arith.constant dense<0.000000e+00> : vector<2048x512xf32>
    %dot_general3A_11 = tpu.matmul %get3A_4, %slice3A_9, %dot_general3A_10 {dimension_numbers = #tpu.dot_dimension_numbers<[1], [1], [0], [0], [0, 0, 1, 0], [], []>, transpose_lhs_hint = false} : vector<2048x128xbf16>, vector<512x128xbf16>, vector<2048x512xf32> -> vector<2048x512xf32>
    %add3A = arith.addf %dot_general3A_8, %dot_general3A_11 : vector<2048x512xf32>
    %get3A_12 = arith.constant 0 : index
    %get3A_13 = arith.constant 0 : index
    %get3A_14 = vector.load %arg4[%get3A_12, %get3A_13] : memref<1x512xf32, #tpu.memory_space<vmem>>, vector<1x512xf32>
    %add3A_15 = vector.broadcast %get3A_14 : vector<1x512xf32> to vector<2048x512xf32>
    %add3A_16 = arith.addf %add3A, %add3A_15 : vector<2048x512xf32>
    %max3A = arith.constant 0.000000e+00 : f32
    %max3A_17 = vector.broadcast %max3A : f32 to vector<2048x512xf32>
    %max3A_18 = arith.maximumf %add3A_16, %max3A_17 : vector<2048x512xf32>
    %convert_element_type3A_19 = arith.truncf %max3A_18 : vector<2048x512xf32> to vector<2048x512xbf16>
    %get3A_20 = arith.constant 0 : index
    %get3A_21 = arith.constant 0 : index
    %get3A_22 = vector.load %arg5[%get3A_20, %get3A_21] : memref<256x512xbf16, #tpu.memory_space<vmem>>, vector<256x512xbf16>
    %dot_general3A_23 = arith.constant dense<0.000000e+00> : vector<2048x256xf32>
    %dot_general3A_24 = tpu.matmul %convert_element_type3A_19, %get3A_22, %dot_general3A_23 {dimension_numbers = #tpu.dot_dimension_numbers<[1], [1], [0], [0], [0, 0, 1, 0], [], []>, transpose_lhs_hint = false} : vector<2048x512xbf16>, vector<256x512xbf16>, vector<2048x256xf32> -> vector<2048x256xf32>
    %get3A_25 = arith.constant 0 : index
    %get3A_26 = arith.constant 0 : index
    %get3A_27 = vector.load %arg6[%get3A_25, %get3A_26] : memref<1x256xf32, #tpu.memory_space<vmem>>, vector<1x256xf32>
    %add3A_28 = vector.broadcast %get3A_27 : vector<1x256xf32> to vector<2048x256xf32>
    %add3A_29 = arith.addf %dot_general3A_24, %add3A_28 : vector<2048x256xf32>
    %max3A_30 = arith.constant 0.000000e+00 : f32
    %max3A_31 = vector.broadcast %max3A_30 : f32 to vector<2048x256xf32>
    %max3A_32 = arith.maximumf %add3A_29, %max3A_31 : vector<2048x256xf32>
    %convert_element_type3A_33 = arith.truncf %max3A_32 : vector<2048x256xf32> to vector<2048x256xbf16>
    %get3A_34 = arith.constant 0 : index
    %get3A_35 = arith.constant 0 : index
    %get3A_36 = vector.load %arg7[%get3A_34, %get3A_35] : memref<128x256xbf16, #tpu.memory_space<vmem>>, vector<128x256xbf16>
    %dot_general3A_37 = arith.constant dense<0.000000e+00> : vector<2048x128xf32>
    %dot_general3A_38 = tpu.matmul %convert_element_type3A_33, %get3A_36, %dot_general3A_37 {dimension_numbers = #tpu.dot_dimension_numbers<[1], [1], [0], [0], [0, 0, 1, 0], [], []>, transpose_lhs_hint = false} : vector<2048x256xbf16>, vector<128x256xbf16>, vector<2048x128xf32> -> vector<2048x128xf32>
    %get3A_39 = arith.constant 0 : index
    %get3A_40 = arith.constant 0 : index
    %get3A_41 = vector.load %arg8[%get3A_39, %get3A_40] : memref<1x128xf32, #tpu.memory_space<vmem>>, vector<1x128xf32>
    %add3A_42 = vector.broadcast %get3A_41 : vector<1x128xf32> to vector<2048x128xf32>
    %add3A_43 = arith.addf %dot_general3A_38, %add3A_42 : vector<2048x128xf32>
    %max3A_44 = arith.constant 0.000000e+00 : f32
    %max3A_45 = vector.broadcast %max3A_44 : f32 to vector<2048x128xf32>
    %max3A_46 = arith.maximumf %add3A_43, %max3A_45 : vector<2048x128xf32>
    %mul3A = arith.mulf %max3A_46, %max3A_46 : vector<2048x128xf32>
    %reduce_sum3A = arith.constant dense<0.000000e+00> : vector<2048xf32>
    %reduce_sum3A_47 = vector.multi_reduction <add>, %mul3A, %reduce_sum3A [1] : vector<2048x128xf32> to vector<2048xf32>
    %broadcast_in_dim3A = vector.shape_cast %reduce_sum3A_47 : vector<2048xf32> to vector<2048x1xf32>
    %sqrt3A = math.sqrt %broadcast_in_dim3A : vector<2048x1xf32>
    %max3A_48 = arith.constant 9.99999996E-13 : f32
    %max3A_49 = vector.broadcast %max3A_48 : f32 to vector<2048x1xf32>
    %max3A_50 = arith.maximumf %sqrt3A, %max3A_49 : vector<2048x1xf32>
    %div3A = arith.constant 1.000000e+00 : f32
    %div3A_51 = vector.broadcast %div3A : f32 to vector<2048x1xf32>
    %div3A_52 = arith.divf %div3A_51, %max3A_50 : vector<2048x1xf32>
    %mul3A_53 = vector.broadcast %div3A_52 : vector<2048x1xf32> to vector<2048x128xf32>
    %mul3A_54 = arith.mulf %max3A_46, %mul3A_53 : vector<2048x128xf32>
    %swap3A = arith.constant 0 : index
    %swap3A_55 = arith.constant 0 : index
    %swap3A_56 = vector.load %arg9[%swap3A, %swap3A_55] : memref<2048x128xf32, #tpu.memory_space<vmem>>, vector<2048x128xf32>
    tpu.vector_store %arg9[%swap3A, %swap3A_55], %mul3A_54 {strides = array<i32>} : memref<2048x128xf32, #tpu.memory_space<vmem>>, vector<2048x128xf32>,
    return
  }
  func.func @transform_0(%arg0: i32) -> (i32, i32) {
    %c0_i32 = arith.constant 0 : i32
    %c0_i32_0 = arith.constant 0 : i32
    return %arg0, %c0_i32 : i32, i32
  }
  func.func @transform_1(%arg0: i32) -> (i32, i32) {
    %c0_i32 = arith.constant 0 : i32
    %c0_i32_0 = arith.constant 0 : i32
    return %arg0, %c0_i32 : i32, i32
  }
  func.func @transform_2(%arg0: i32) -> (i32, i32) {
    %c0_i32 = arith.constant 0 : i32
    %c0_i32_0 = arith.constant 0 : i32
    %c0_i32_1 = arith.constant 0 : i32
    return %c0_i32, %c0_i32_0 : i32, i32
  }
  func.func @transform_3(%arg0: i32) -> (i32, i32) {
    %c0_i32 = arith.constant 0 : i32
    %c0_i32_0 = arith.constant 0 : i32
    %c0_i32_1 = arith.constant 0 : i32
    return %c0_i32, %c0_i32_0 : i32, i32
  }
  func.func @transform_4(%arg0: i32) -> (i32, i32) {
    %c0_i32 = arith.constant 0 : i32
    %c0_i32_0 = arith.constant 0 : i32
    %c0_i32_1 = arith.constant 0 : i32
    return %c0_i32, %c0_i32_0 : i32, i32
  }
  func.func @transform_5(%arg0: i32) -> (i32, i32) {
    %c0_i32 = arith.constant 0 : i32
    %c0_i32_0 = arith.constant 0 : i32
    %c0_i32_1 = arith.constant 0 : i32
    return %c0_i32, %c0_i32_0 : i32, i32
  }
  func.func @transform_6(%arg0: i32) -> (i32, i32) {
    %c0_i32 = arith.constant 0 : i32
    %c0_i32_0 = arith.constant 0 : i32
    %c0_i32_1 = arith.constant 0 : i32
    return %c0_i32, %c0_i32_0 : i32, i32
  }
  func.func @transform_7(%arg0: i32) -> (i32, i32) {
    %c0_i32 = arith.constant 0 : i32
    %c0_i32_0 = arith.constant 0 : i32
    %c0_i32_1 = arith.constant 0 : i32
    return %c0_i32, %c0_i32_0 : i32, i32
  }
  func.func @transform_8(%arg0: i32) -> (i32, i32) {
    %c0_i32 = arith.constant 0 : i32
    %c0_i32_0 = arith.constant 0 : i32
    return %arg0, %c0_i32 : i32, i32
  }
}

module attributes {stable_mosaic.version = 14 : i64} {
  func.func @_genre_body(%arg0: i32, %arg1: memref<8x4096xi32, #tpu.memory_space<vmem>>, %arg2: memref<32x128xbf16, #tpu.memory_space<vmem>>, %arg3: memref<4096x128xbf16, #tpu.memory_space<vmem>>) attributes {dimension_semantics = [#tpu.dimension_semantics<arbitrary>], iteration_bounds = array<i64: 1>, scalar_prefetch = 0 : i64, scratch_operands = 0 : i64, tpu.core_type = #tpu.core_type<tc>, window_params = [{transform_indices = @transform_0, window_bounds = array<i64: 8, 4096>}, {pipeline_mode = #tpu.pipeline_mode<synchronous>, transform_indices = @transform_1, window_bounds = array<i64: 32, 128>}, {transform_indices = @transform_2, window_bounds = array<i64: 4096, 128>}]} {
    %get3A = arith.constant 0 : index
    %get3A_0 = arith.constant 0 : index
    %get3A_1 = vector.load %arg1[%get3A, %get3A_0] : memref<8x4096xi32, #tpu.memory_space<vmem>>, vector<8x4096xi32>
    %iota3A = tpu.iota {dimensions = array<i32: 0>} : vector<32x4096xi32>
    %broadcast_in_dim3A = arith.constant 0.000000e+00 : f32
    %broadcast_in_dim3A_2 = vector.broadcast %broadcast_in_dim3A : f32 to vector<32x4096xf32>
    %slice3A = vector.extract_strided_slice %get3A_1 {offsets = [0, 0], sizes = [1, 4096], strides = [1, 1]} : vector<8x4096xi32> to vector<1x4096xi32>
    %eq3A = vector.broadcast %slice3A : vector<1x4096xi32> to vector<32x4096xi32>
    %eq3A_3 = arith.cmpi eq, %eq3A, %iota3A : vector<32x4096xi32>
    %convert_element_type3A = arith.extui %eq3A_3 : vector<32x4096xi1> to vector<32x4096xi32>
    %convert_element_type3A_4 = arith.sitofp %convert_element_type3A : vector<32x4096xi32> to vector<32x4096xf32>
    %add3A = arith.addf %broadcast_in_dim3A_2, %convert_element_type3A_4 : vector<32x4096xf32>
    %slice3A_5 = vector.extract_strided_slice %get3A_1 {offsets = [1, 0], sizes = [1, 4096], strides = [1, 1]} : vector<8x4096xi32> to vector<1x4096xi32>
    %eq3A_6 = vector.broadcast %slice3A_5 : vector<1x4096xi32> to vector<32x4096xi32>
    %eq3A_7 = arith.cmpi eq, %eq3A_6, %iota3A : vector<32x4096xi32>
    %convert_element_type3A_8 = arith.extui %eq3A_7 : vector<32x4096xi1> to vector<32x4096xi32>
    %convert_element_type3A_9 = arith.sitofp %convert_element_type3A_8 : vector<32x4096xi32> to vector<32x4096xf32>
    %add3A_10 = arith.addf %add3A, %convert_element_type3A_9 : vector<32x4096xf32>
    %slice3A_11 = vector.extract_strided_slice %get3A_1 {offsets = [2, 0], sizes = [1, 4096], strides = [1, 1]} : vector<8x4096xi32> to vector<1x4096xi32>
    %eq3A_12 = vector.broadcast %slice3A_11 : vector<1x4096xi32> to vector<32x4096xi32>
    %eq3A_13 = arith.cmpi eq, %eq3A_12, %iota3A : vector<32x4096xi32>
    %convert_element_type3A_14 = arith.extui %eq3A_13 : vector<32x4096xi1> to vector<32x4096xi32>
    %convert_element_type3A_15 = arith.sitofp %convert_element_type3A_14 : vector<32x4096xi32> to vector<32x4096xf32>
    %add3A_16 = arith.addf %add3A_10, %convert_element_type3A_15 : vector<32x4096xf32>
    %slice3A_17 = vector.extract_strided_slice %get3A_1 {offsets = [3, 0], sizes = [1, 4096], strides = [1, 1]} : vector<8x4096xi32> to vector<1x4096xi32>
    %eq3A_18 = vector.broadcast %slice3A_17 : vector<1x4096xi32> to vector<32x4096xi32>
    %eq3A_19 = arith.cmpi eq, %eq3A_18, %iota3A : vector<32x4096xi32>
    %convert_element_type3A_20 = arith.extui %eq3A_19 : vector<32x4096xi1> to vector<32x4096xi32>
    %convert_element_type3A_21 = arith.sitofp %convert_element_type3A_20 : vector<32x4096xi32> to vector<32x4096xf32>
    %add3A_22 = arith.addf %add3A_16, %convert_element_type3A_21 : vector<32x4096xf32>
    %slice3A_23 = vector.extract_strided_slice %get3A_1 {offsets = [4, 0], sizes = [1, 4096], strides = [1, 1]} : vector<8x4096xi32> to vector<1x4096xi32>
    %eq3A_24 = vector.broadcast %slice3A_23 : vector<1x4096xi32> to vector<32x4096xi32>
    %eq3A_25 = arith.cmpi eq, %eq3A_24, %iota3A : vector<32x4096xi32>
    %convert_element_type3A_26 = arith.extui %eq3A_25 : vector<32x4096xi1> to vector<32x4096xi32>
    %convert_element_type3A_27 = arith.sitofp %convert_element_type3A_26 : vector<32x4096xi32> to vector<32x4096xf32>
    %add3A_28 = arith.addf %add3A_22, %convert_element_type3A_27 : vector<32x4096xf32>
    %slice3A_29 = vector.extract_strided_slice %get3A_1 {offsets = [5, 0], sizes = [1, 4096], strides = [1, 1]} : vector<8x4096xi32> to vector<1x4096xi32>
    %eq3A_30 = vector.broadcast %slice3A_29 : vector<1x4096xi32> to vector<32x4096xi32>
    %eq3A_31 = arith.cmpi eq, %eq3A_30, %iota3A : vector<32x4096xi32>
    %convert_element_type3A_32 = arith.extui %eq3A_31 : vector<32x4096xi1> to vector<32x4096xi32>
    %convert_element_type3A_33 = arith.sitofp %convert_element_type3A_32 : vector<32x4096xi32> to vector<32x4096xf32>
    %add3A_34 = arith.addf %add3A_28, %convert_element_type3A_33 : vector<32x4096xf32>
    %slice3A_35 = vector.extract_strided_slice %get3A_1 {offsets = [6, 0], sizes = [1, 4096], strides = [1, 1]} : vector<8x4096xi32> to vector<1x4096xi32>
    %eq3A_36 = vector.broadcast %slice3A_35 : vector<1x4096xi32> to vector<32x4096xi32>
    %eq3A_37 = arith.cmpi eq, %eq3A_36, %iota3A : vector<32x4096xi32>
    %convert_element_type3A_38 = arith.extui %eq3A_37 : vector<32x4096xi1> to vector<32x4096xi32>
    %convert_element_type3A_39 = arith.sitofp %convert_element_type3A_38 : vector<32x4096xi32> to vector<32x4096xf32>
    %add3A_40 = arith.addf %add3A_34, %convert_element_type3A_39 : vector<32x4096xf32>
    %slice3A_41 = vector.extract_strided_slice %get3A_1 {offsets = [7, 0], sizes = [1, 4096], strides = [1, 1]} : vector<8x4096xi32> to vector<1x4096xi32>
    %eq3A_42 = vector.broadcast %slice3A_41 : vector<1x4096xi32> to vector<32x4096xi32>
    %eq3A_43 = arith.cmpi eq, %eq3A_42, %iota3A : vector<32x4096xi32>
    %convert_element_type3A_44 = arith.extui %eq3A_43 : vector<32x4096xi1> to vector<32x4096xi32>
    %convert_element_type3A_45 = arith.sitofp %convert_element_type3A_44 : vector<32x4096xi32> to vector<32x4096xf32>
    %add3A_46 = arith.addf %add3A_40, %convert_element_type3A_45 : vector<32x4096xf32>
    %get3A_47 = arith.constant 0 : index
    %get3A_48 = arith.constant 0 : index
    %get3A_49 = vector.load %arg2[%get3A_47, %get3A_48] : memref<32x128xbf16, #tpu.memory_space<vmem>>, vector<32x128xbf16>
    %iota3A_50 = tpu.iota {dimensions = array<i32: 0>} : vector<32x128xi32>
    %eq3A_51 = arith.constant 0 : i32
    %eq3A_52 = vector.broadcast %eq3A_51 : i32 to vector<32x128xi32>
    %eq3A_53 = arith.cmpi eq, %iota3A_50, %eq3A_52 : vector<32x128xi32>
    %jit3A = arith.constant 0.000000e+00 : bf16
    %broadcast_in_dim3A_54 = vector.broadcast %jit3A : bf16 to vector<32x128xbf16>
    %select_n3A = arith.select %eq3A_53, %broadcast_in_dim3A_54, %get3A_49 : vector<32x128xi1>, vector<32x128xbf16>
    %convert_element_type3A_55 = arith.truncf %add3A_46 : vector<32x4096xf32> to vector<32x4096xbf16>
    %dot_general3A = arith.constant dense<0.000000e+00> : vector<4096x128xf32>
    %dot_general3A_56 = tpu.matmul %convert_element_type3A_55, %select_n3A, %dot_general3A {dimension_numbers = #tpu.dot_dimension_numbers<[0], [0], [1], [1], [0, 1, 1, 1], [], []>, transpose_lhs_hint = false} : vector<32x4096xbf16>, vector<32x128xbf16>, vector<4096x128xf32> -> vector<4096x128xf32>
    %mul3A = arith.constant 1.250000e-01 : f32
    %mul3A_57 = vector.broadcast %mul3A : f32 to vector<4096x128xf32>
    %mul3A_58 = arith.mulf %dot_general3A_56, %mul3A_57 : vector<4096x128xf32>
    %convert_element_type3A_59 = arith.truncf %mul3A_58 : vector<4096x128xf32> to vector<4096x128xbf16>
    %swap3A = arith.constant 0 : index
    %swap3A_60 = arith.constant 0 : index
    %swap3A_61 = vector.load %arg3[%swap3A, %swap3A_60] : memref<4096x128xbf16, #tpu.memory_space<vmem>>, vector<4096x128xbf16>
    tpu.vector_store %arg3[%swap3A, %swap3A_60], %convert_element_type3A_59 {strides = array<i32>} : memref<4096x128xbf16, #tpu.memory_space<vmem>>, vector<4096x128xbf16>,
    return
  }
  func.func @transform_0(%arg0: i32) -> (i32, i32) {
    %c0_i32 = arith.constant 0 : i32
    %c0_i32_0 = arith.constant 0 : i32
    return %c0_i32, %arg0 : i32, i32
  }
  func.func @transform_1(%arg0: i32) -> (i32, i32) {
    %c0_i32 = arith.constant 0 : i32
    %c0_i32_0 = arith.constant 0 : i32
    %c0_i32_1 = arith.constant 0 : i32
    return %c0_i32, %c0_i32_0 : i32, i32
  }
  func.func @transform_2(%arg0: i32) -> (i32, i32) {
    %c0_i32 = arith.constant 0 : i32
    %c0_i32_0 = arith.constant 0 : i32
    return %arg0, %c0_i32 : i32, i32
  }
}

</mosaic_0001>

<sc_bundles>
// kernel: kernel.5.cloned.1.call-start
scs
__scs_entry_jumppad:
0x0: {  	(pc) =	sbr.rel $0x88, $3  }
0x1: {  	(tag) =	ssettag $0x0;
	lr =	simm.s32 $0x1  }
0x2: {  	[smem:$0x3F97] =	sst lr;
	_ =	strace $0xD0000000  }
0x3: {  	_ = 	snop  }
0x4: {  	_ = 	snop  }
0x5: {  	_ = 	snop  }
0x6: {  	_ = 	snop  }
0x7: {  	_ = 	snop  }
__scs_overlays_trampoline_lowered:
0x8: {  	[smem:$0x3FA6] =	sst s0  }
0x9: {  	[smem:$0x3FA7] =	sst s1  }
0xa: {  	[smem:$0x3FA8] =	sst s2  }
0xb: {  	[smem:$0x3FA9] =	sst s3  }
0xc: {  	[smem:$0x3FAA] =	sst s4  }
0xd: {  	[smem:$0x3FAB] =	sst s5  }
0xe: {  	[smem:$0x3FAC] =	sst s6  }
0xf: {  	[smem:$0x3FAD] =	sst s7  }
0x10: {  	[smem:$0x3FAE] =	sst s8  }
0x11: {  	[smem:$0x3FAF] =	sst s9;
	s0 =	simm.s32 @!p0 $0x0  }
0x12: {  	s1 =	sld [smem:$0x3F95];
	s0 =	simm.s32 @p0 $0x1  }
0x13: {  	[smem:$0x3FB0] =	sst s0;
	s0 =	simm.s32 @!p1 $0x0  }
0x14: {  	s2 =	sld [smem:$0x3F94];
	s0 =	simm.s32 @p1 $0x1  }
0x15: {  	[smem:$0x3FB1] =	sst s0;
	s0 =	simm.s32 @!p2 $0x0  }
0x16: {  	s3 =	sld [smem:$0x3FDB];
	s0 =	simm.s32 @p2 $0x1  }
0x17: {  	s4 =	simm.s32 $0x1BF5;
	[smem:$0x3FB3] =	sst s0  }
0x18: {  	s0 =	sld [smem:$0x3F96];
	_ =	swait.ge [sflag:s4], $0x0  }
0x19: {  	s7 =	sld [smem:$0x3F97]  }
0x1a: {  	s8 =	sadd.s32 $0xFFFFE003, lr  }
0x1b: {  	s9 =	sadd.s32 $0xFFFFFEF7, lr;
	s5 =	simm.s32 $0xFFFFFFFF;
	p2 =	slt.u32 s8, $0xFFFFF086  }
0x1c: {  	p1 =	slt.u32 s9, $0xF7A;
	s5 =	simm.s32 @!p2 $0x0  }
0x1d: {  	s5 =	simm.s32 @p1 $0x1;
	p0 =	seq.s32 s7, s2  }
0x1e: {  	s7 =	smul.u32 @!p0 $0xF7A, s2;
	p2 =	seq.s32 @!p0 s5, $0x0  }
0x1f: {  	s9 =	smul.u32 $0xF7A, s1;
	s8 =	simm.s32 @!p0 $0x1BF5;
	p2 =	por !p2, p0  }
0x20: {  	[sflag:s8] =	ssyncset.s32 @!p0 $0xFFFFF086;
	s6 =	sadd.s32 @!p0 s3, s7;
	s7 =	simm.s32 @!p0 $0x108  }
0x21: {  	s3 =	sadd.s32 s3, s9;
	s6 =	sadd.s32 @!p0 $0x88, s6;
	s7 =	simm.s32 @p2 $0x1082  }
0x22: {  	[simem:s7], [sflag:s8] =	dma.local @!p0 [hbm:s6], $0xF7A  }
0x23: {  	s9 =	sor.u32 $0xD0000000, s2;
	s6 =	simm.s32 $0x108;
	_ =	swait.ge @!p0 [sflag:s8], $0x0  }
0x24: {  	s3 =	sadd.s32 $0x88, s3;
	s6 =	simm.s32 @!p1 $0x1082;
	[sflag:s4] =	ssyncset.s32 $0xFFFFF086  }
0x25: {  	[simem:s6], [sflag:s4] =	dma.local [hbm:s3], $0xF7A  }
0x26: {  	[smem:$0x3F97] =	sst s1;
	(tag) =	ssettag s2;
	_ =	strace s9  }
0x27: {  	s1 =	sld [smem:$0x3FA7]  }
0x28: {  	s2 =	sld [smem:$0x3FA8]  }
0x29: {  	s4 =	sld [smem:$0x3FAA]  }
0x2a: {  	p0 =	seq.s32 s5, $0x0;
	s5 =	sld [smem:$0x3FAB]  }
0x2b: {  	s6 =	sld [smem:$0x3FAC]  }
0x2c: {  	s7 =	sld [smem:$0x3FAD]  }
0x2d: {  	s3 =	simm.s32 $0x108;
	s8 =	sld [smem:$0x3FAE]  }
0x2e: {  	s3 =	simm.s32 @!p0 $0x1082;
	s9 =	sld [smem:$0x3FAF]  }
0x2f: {  	lr =	sadd.s32 s0, s3;
	s0 =	sld [smem:$0x3FA6]  }
0x30: {  	s3 =	sld [smem:$0x3FA9]  }
0x31: {  	[smem:$0x3FB2] =	sst s10  }
0x32: {  	s10 =	sld [smem:$0x3FB0];
	_ =	sdelay $0x3  }
0x33: {  	p0 =	seq.s32 s10, $0x1;
	s10 =	sld [smem:$0x3FB2];
	_ =	sdelay $0x3  }
0x34: {  	[smem:$0x3FB2] =	sst s10  }
0x35: {  	s10 =	sld [smem:$0x3FB1];
	_ =	sdelay $0x3  }
0x36: {  	p1 =	seq.s32 s10, $0x1;
	s10 =	sld [smem:$0x3FB2];
	_ =	sdelay $0x3  }
0x37: {  	[smem:$0x3FB2] =	sst s10  }
0x38: {  	s10 =	sld [smem:$0x3FB3]  }
0x39: {  	_ = 	snop;
	(pc) =	sbr.ind lr, $3  }
0x3a: {  	_ = 	snop  }
0x3b: {  	_ = 	snop  }
0x3c: {  	p2 =	seq.s32 s10, $0x1;
	s10 =	sld [smem:$0x3FB2]  }
0x3d: {  	_ =	shalt  }
0x3e: {  	_ =	shalt  }
0x3f: {  	_ =	shalt  }
0x40: {  	_ =	shalt  }
0x41: {  	_ =	shalt  }
0x42: {  	_ =	shalt  }
0x43: {  	_ =	shalt  }
0x44: {  	_ =	shalt  }
0x45: {  	_ =	shalt  }
0x46: {  	_ =	shalt  }
0x47: {  	_ =	shalt  }
0x48: {  	_ =	shalt  }
0x49: {  	_ =	shalt  }
0x4a: {  	_ =	shalt  }
0x4b: {  	_ =	shalt  }
0x4c: {  	_ =	shalt  }
0x4d: {  	_ =	shalt  }
0x4e: {  	_ =	shalt  }
0x4f: {  	_ =	shalt  }
0x50: {  	_ =	shalt  }
0x51: {  	_ =	shalt  }
0x52: {  	_ =	shalt  }
0x53: {  	_ =	shalt  }
0x54: {  	_ =	shalt  }
0x55: {  	_ =	shalt  }
0x56: {  	_ =	shalt  }
0x57: {  	_ =	shalt  }
0x58: {  	_ =	shalt  }
0x59: {  	_ =	shalt  }
0x5a: {  	_ =	shalt  }
0x5b: {  	_ =	shalt  }
0x5c: {  	_ =	shalt  }
0x5d: {  	_ =	shalt  }
0x5e: {  	_ =	shalt  }
0x5f: {  	_ =	shalt  }
0x60: {  	_ =	shalt  }
0x61: {  	_ =	shalt  }
0x62: {  	_ =	shalt  }
0x63: {  	_ =	shalt  }
0x64: {  	_ =	shalt  }
0x65: {  	_ =	shalt  }
0x66: {  	_ =	shalt  }
0x67: {  	_ =	shalt  }
0x68: {  	_ =	shalt  }
0x69: {  	_ =	shalt  }
0x6a: {  	_ =	shalt  }
0x6b: {  	_ =	shalt  }
0x6c: {  	_ =	shalt  }
0x6d: {  	_ =	shalt  }
0x6e: {  	_ =	shalt  }
0x6f: {  	_ =	shalt  }
0x70: {  	_ =	shalt  }
0x71: {  	_ =	shalt  }
0x72: {  	_ =	shalt  }
0x73: {  	_ =	shalt  }
0x74: {  	_ =	shalt  }
0x75: {  	_ =	shalt  }
0x76: {  	_ =	shalt  }
0x77: {  	_ =	shalt  }
0x78: {  	_ =	shalt  }
0x79: {  	_ =	shalt  }
0x7a: {  	_ =	shalt  }
0x7b: {  	_ =	shalt  }
0x7c: {  	_ =	shalt  }
0x7d: {  	_ =	shalt  }
0x7e: {  	_ =	shalt  }
0x7f: {  	_ =	shalt  }
0x80: {  	_ =	shalt  }
0x81: {  	_ =	shalt  }
0x82: {  	_ =	shalt  }
0x83: {  	_ =	shalt  }
0x84: {  	_ =	shalt  }
0x85: {  	_ =	shalt  }
0x86: {  	_ =	shalt  }
0x87: {  	_ =	shalt  }
.Lfunc_end0:
.L_simem_size_0:
called_computation_lowered:
.L_overlay_start_0:
0x88: {  	s2 =	sld [smem:$0x3FD9]  }
0x89: {  	s3 =	sld [smem:$0x3FFE];
	_ =	sdelay $0x1  }
0x8a: {  	s1 =	srdreg.scid  }
0x8b: {  	s0 =	sand.u32 $0x1, s1  }
0x8c: {  	s18 =	sshll.u32 s0, $0xA;
	s2 =	sadd.s32 s3, s2  }
0x8d: {  	s2 =	sadd.s32 s2, s18  }
0x8e: {  	[smem:$0x3FBE] =	sst s2  }
0x8f: {  	_ = 	snop  }
0x90: {  	s2 =	sld [smem:$0x3FC9]  }
0x91: {  	s19 =	sld [smem:$0x3FC7]  }
0x92: {  	s4 =	sld [smem:$0x3FD0];
	(tm) =	ssettm $0x1  }
0x93: {  	s5 =	sld [smem:$0x3FFB];
	_ =	sdelay $0x3  }
0x94: {  	_ =	strace s5  }
0x95: {  	s5 =	sld [smem:$0x3FFC];
	_ =	sdelay $0x3  }
0x96: {  	_ =	strace s5  }
0x97: {  	s5 =	sld [smem:$0x3FFD];
	_ =	sdelay $0x3  }
0x98: {  	_ =	strace s5  }
0x99: {  	_ =	strace $0x8FFFFFFF  }
0x9a: {  	s20 =	sld [smem:$0x3FDB];
	_ =	sdelay $0x1  }
0x9b: {  	s6 =	simm.s32 $_scs_section_size  }
0x9c: {  	s7 =	simm.s32 $_size__tile_overlayer_lowered;
	s8 =	simm.s32 $_tile_overlayer_lowered  }
0x9d: {  	s23 =	simm.s32 $0x1BFF;
	s22 =	sshll.u32 s8, $0x1;
	s5 =	sadd.s32 s6, s20  }
0x9e: {  	s9 =	simm.s32 $0x0;
	s21 =	sshll.u32 s7, $0x1;
	s7 =	sadd.s32 s22, s5  }
0x9f: {  	[timem:s9], [sflag:s23] =	dma.local [hbm:s7], s21  }
0xa0: {  	_ =	swait.ge [sflag:s23], s21  }
0xa1: {  	s6 =	ssub.s32 $0x0, s21;
	[sflag:s23] =	ssyncset.done $0x0  }
0xa2: {  	[sflag:s23] =	ssyncadd.s32 s6;
	_ =	sdelay $0x1  }
0xa3: {  	s24 =	simm.s32 $0x1B8B  }
0xa4: {  	_ =	swait.ge [sflag:s24], $0x1  }
0xa5: {  	[sflag:s24] =	ssyncset.done $0x0  }
0xa6: {  	s25 =	simm.s32 $0x1B8E;
	[sflag:s24] =	ssyncadd.s32 $0xFFFFFFFF  }
0xa7: {  	s26 =	simm.s32 $execute0_lowered;
	[smem:$0x3FD2] =	sst s25  }
0xa8: {  	s6 =	sshll.u32 s26, $0x1;
	_ =	strace $0x80000046;
	[dreg:$0x1] =	wrdreg $0xFFFFFFFF  }
0xa9: {  	s28 =	simm.s32 $_size_execute0_lowered;
	s5 =	sadd.s32 s5, s6;
	[dreg:$0x0] =	wrdreg $0x0  }
0xaa: {  	s6 =	sshll.u32 s28, $0x1;
	[dreg:$0x2] =	wrdreg s5  }
0xab: {  	[dreg:$0x3] =	wrdreg s6  }
0xac: {  	[dreg:$0x4] =	wrdreg $0xC0  }
0xad: {  	_ =	task [dreg:s9], $0x5FFFF  }
0xae: {  	[dreg:$0x1] =	wrdreg $0xFFFFFFFF  }
0xaf: {  	[dreg:$0x0] =	wrdreg $0x60  }
0xb0: {  	[dreg:$0x2] =	wrdreg s19  }
0xb1: {  	[dreg:$0x3] =	wrdreg s2  }
0xb2: {  	[dreg:$0x4] =	wrdreg s4  }
0xb3: {  	[dreg:$0x5] =	wrdreg $0x9  }
0xb4: {  	_ =	task.clear_ibuf [dreg:s9], $0x6FFFF;
	_ =	strace $0x90000046  }
0xb5: {  	s29 =	simm.s32 $0x9;
	_ =	strace $0x80000048  }
0xb6: {  	_ =	swait.ge [sflag:s29], $0x1  }
0xb7: {  	[sflag:s29] =	ssyncadd.s32 $0xFFFFFFFF  }
0xb8: {  	_ =	strace $0x90000048  }
0xb9: {  	_ =	sfence  }
0xba: {  	s30 =	sld [smem:$0x0];
	_ =	sdelay $0x2  }
0xbb: {  	s31 =	sshll.u32 s1, $0xD;
	s1 =	sshrl.u32 s1, $0x2  }
0xbc: {  	s3 =	sand.u32 $0x4000, s31;
	s1 =	sadd.s32 s1, s30  }
0xbd: {  	s0 =	sor.u32 s3, s0;
	s1 =	sshll.u32 s1, $0x11  }
0xbe: {  	s0 =	sor.u32 s1, s0  }
0xbf: {  	s0 =	sadd.s32 $0x8F2B, s0  }
0xc0: {  	[sflag:s0] =	ssyncadd.remote.s32 $0x1  }
0xc1: {  	_ =	sfence.sel $0xFFFF  }
0xc2: {  	[dreg:$0x0] =	wrdreg $0xFFFFFFFF;
	(pc) =	sbr.abs _section_cstart, $3  }
0xc3: {  	[dreg:$0x1] =	wrdreg $0xFFFFFFFF  }
0xc4: {  	_ =	task.clear_ibuf [dreg:s9], $0x2FFFF;
	_ =	strace $0x9FFFFFFF  }
0xc5: {  	(tm) =	ssettm $0x7FFFFFFF  }
tec
execute0_lowered:
.L_overlay_start_1:
0x0: {  	(tag) =	ssettag $0x1  }
0x1: {  	s1 =	rddreg [dreg:$0x0];
	s2 =	srdreg.scid  }
0x2: {  	s4 =	rddreg [dreg:$0x1];
	s0 =	stileid.u32;
	s12 =	sand.u32 $0x1, s2  }
0x3: {  	s10 =	rddreg [dreg:$0x2];
	s5 =	sshll.u32 s0, $0x8;
	s6 =	sshll.u32 s12, $0x7  }
0x4: {  	s3 =	simm.s32 $0x0;
	s2 =	rddreg [dreg:$0x3];
	s11 =	sor.u32 s6, s5  }
0x5: {  	[smem:$0x7FF] =	sst s3;
	s5 =	sshrl.u32 s11, $0x3  }
0x6: {  	_ =	strace $0x80000047;
	s4 =	sadd.s32 s4, s5;
	s5 =	simm.s32 $0x5  }
0x7: {  	[tilespmem:s3], [sflag:$0x5] =	stream.linear.gather [hbm4b:s4+s3], $0x80, $0x38;
	[tilespmem:$0x4080] =	vst v63  }
0x8: {  	_ =	swait.ge [sflag:s5], $0x80  }
0x9: {  	[sflag:s5] =	ssyncset.done $0x0  }
0xa: {  	s7 =	simm.s32 $0x80;
	s6 =	simm.s32 $0x40;
	[sflag:s5] =	ssyncadd.s32 $0xFFFFFF80  }
0xb: {  	[tilespmem:s7], [sflag:$0x1] =	stream.indirect.gather [hbm4b:s1+s6], $0x80, s3, s6, $0xb8;
	[tilespmem:$0x4080] =	vst v63  }
0xc: {  	s8 =	simm.s32 $0x2080;
	s9 =	simm.s32 $0x1  }
0xd: {  	[tilespmem:s8], [sflag:$0x2] =	stream.indirect.gather [hbm4b:s1+s6], $0x80, s6, s6, $0xb8;
	[tilespmem:$0x4080] =	vst v63  }
0xe: {  	s14 =	ssub.s32 $0x2, s12;
	_ =	swait.ge [sflag:s9], $0x2000  }
0xf: {  	s15 =	sshrl.u32 s14, $0x1;
	s11 =	sshll.u32 s11, $0x4;
	[sflag:s9] =	ssyncset.done $0x0  }
0x10: {  	s10 =	sadd.s32 s10, s11;
	s11 =	simm.s32 $0x2;
	[sflag:s9] =	ssyncadd.s32 $0xFFFFE000  }
0x11: {  	[hbm4b:s10+s3] =	stream.linear.scatter [tilespmem:s7], [sflag:$0x3], $0x2000, $0x38;
	[tilespmem:$0x4080] =	vst v63  }
0x12: {  	s14 =	ssub.s32 s14, s15;
	_ =	swait.ge [sflag:s11], $0x2000  }
0x13: {  	s13 =	simm.s32 $0x3;
	s15 =	smax.u32 s14, $0x1;
	[sflag:s11] =	ssyncset.done $0x0  }
0x14: {  	s12 =	sadd.s32 $0x400, s10;
	p0 =	sne.s32 s15, $0x1;
	[sflag:s11] =	ssyncadd.s32 $0xFFFFE000  }
0x15: {  	[hbm4b:s12+s3] =	stream.linear.scatter [tilespmem:s8], [sflag:$0x4], $0x2000, $0x38;
	[tilespmem:$0x4080] =	vst v63  }
.Ltmp0:
0x16: {  	_ =	swait.ge [sflag:s13], $0x2000;
	(pc) =	sbr.rel @!p0 .LBB2_2-.Ltmp0, $4  }
0x17: {  	[sflag:s13] =	ssyncset.done $0x0  }
0x18: {  	s14 =	simm.s32 $0x4;
	[sflag:s13] =	ssyncadd.s32 $0xFFFFE000  }
0x19: {  	_ =	swait.ge [sflag:s14], $0x2000  }
0x1a: {  	s15 =	sadd.s32 $0xFFFFFFFF, s15;
	[sflag:s14] =	ssyncset.done $0x0  }
.LBB2_1:
0x1b: {  	p0 =	sne.s32 s15, $0x1;
	s15 =	sadd.s32 $0xFFFFFFFF, s15;
	[sflag:s14] =	ssyncadd.s32 $0xFFFFE000  }
0x1c: {  	[tilespmem:s3], [sflag:$0x5] =	stream.linear.gather [hbm4b:s4+s3], $0x80, $0x38;
	[tilespmem:$0x4080] =	vst v63  }
0x1d: {  	_ =	swait.ge [sflag:s5], $0x80  }
0x1e: {  	[sflag:s5] =	ssyncset.done $0x0  }
0x1f: {  	[sflag:s5] =	ssyncadd.s32 $0xFFFFFF80  }
0x20: {  	[tilespmem:s7], [sflag:$0x1] =	stream.indirect.gather [hbm4b:s1+s6], $0x80, s3, s6, $0xb8;
	[tilespmem:$0x4080] =	vst v63  }
0x21: {  	_ = 	snop  }
0x22: {  	[tilespmem:s8], [sflag:$0x2] =	stream.indirect.gather [hbm4b:s1+s6], $0x80, s6, s6, $0xb8;
	[tilespmem:$0x4080] =	vst v63  }
0x23: {  	_ =	swait.ge [sflag:s9], $0x2000  }
0x24: {  	[sflag:s9] =	ssyncset.done $0x0  }
0x25: {  	[sflag:s9] =	ssyncadd.s32 $0xFFFFE000  }
0x26: {  	[hbm4b:s10+s3] =	stream.linear.scatter [tilespmem:s7], [sflag:$0x3], $0x2000, $0x38;
	[tilespmem:$0x4080] =	vst v63  }
0x27: {  	_ =	swait.ge [sflag:s11], $0x2000  }
0x28: {  	[sflag:s11] =	ssyncset.done $0x0  }
0x29: {  	[sflag:s11] =	ssyncadd.s32 $0xFFFFE000  }
0x2a: {  	[hbm4b:s12+s3] =	stream.linear.scatter [tilespmem:s8], [sflag:$0x4], $0x2000, $0x38;
	[tilespmem:$0x4080] =	vst v63  }
.Ltmp1:
0x2b: {  	_ =	swait.ge [sflag:s13], $0x2000;
	(pc) =	sbr.rel @p0 .LBB2_1-.Ltmp1, $4  }
0x2c: {  	[sflag:s13] =	ssyncset.done $0x0  }
0x2d: {  	[sflag:s13] =	ssyncadd.s32 $0xFFFFE000  }
0x2e: {  	_ =	swait.ge [sflag:s14], $0x2000  }
0x2f: {  	[sflag:s14] =	ssyncset.done $0x0  }
.LBB2_2:
0x30: {  	[sflag:s14] =	ssyncadd.s32 $0xFFFFE000  }
0x31: {  	_ =	sfence.sel $0x180000  }
0x32: {  	[bflag:$0x0] =	sbarrier.arrive $0xFFFF  }
0x33: {  	p0 =	sne.s32 s0, $0x0;
	_ =	strace $0x90000047  }
0x34: {  	s0 =	sadd.s32 @!p0 $0x100000, s2;
	[bflag:$0x2] =	sbarrier.arrive $0xFFFF  }
0x35: {  	[sflag:s0] =	ssyncadd.tile.s32 @!p0 $0x1;
	_ =	shalt  }
.Lfunc_end2:
_tile_overlayer_lowered:
.L_overlay_start_2:
0x36: {  	(tag) =	ssettag $0x2  }
0x37: {  	s0 =	rddreg [dreg:$0x0];
	s2 =	stileid.u32  }
0x38: {  	s1 =	rddreg [dreg:$0x1];
	p0 =	sne.s32 s2, $0x0  }
0x39: {  	s3 =	rddreg [dreg:$0x2];
	[bflag:$0x3] =	sbarrier.arrive $0xFFFF;
	s2 =	simm.s32 @!p0 $0x1C05  }
0x3a: {  	[timem:s3], [sflag:s2] =	dma.local @!p0 [hbm:s0], s1  }
0x3b: {  	s0 =	simm.s32 @!p0 $0x5  }
0x3c: {  	_ =	swait.ge @!p0 [sflag:s0], s1  }
0x3d: {  	s1 =	ssub.s32 @!p0 $0x0, s1;
	[sflag:s0] =	ssyncset.done @!p0 $0x0  }
0x3e: {  	[sflag:s0] =	ssyncadd.s32 @!p0 s1  }
0x3f: {  	[bflag:$0x3] =	sbarrier.arrive $0xFFFF  }
0x40: {  	_ =	shalt  }

</sc_bundles>
